<compile_context>
chip_gen: v7x
topology: tpu7x:2x2x1
jax: 0.10.2.dev20260603
libtpu: 0.0.44.dev20260713+nightly
codegen_flags: <defaults>
</compile_context>

<pallas_src>
import functools

import jax
import jax.numpy as jnp
from jax import lax
from jax.experimental import pallas as pl
from jax.experimental.pallas import tpu as pltpu
from jax.experimental.pallas import tpu_sc as plsc

MAX_DEGREE = 64
BATCH = 16384
SAMPLES = 25
COLS_PAD = 32
N_NODES_TBL = 100000

NUM_CORES = 2
NUM_SUBCORES = 16
LANES = 16
BAND_PAD = 100352
BLK = 2048
N_BLK = BATCH // BLK
OUT_ROWS = 32

_mesh = plsc.VectorSubcoreMesh(
    core_axis_name="c", subcore_axis_name="s",
    num_cores=NUM_CORES, num_subcores=NUM_SUBCORES)


def _sample_body(flat_hbm, ids_hbm, cols_hbm, out_hbm,
                 band_v, cols_v, idx_v, row_v, semb, semo):
    wid = lax.axis_index("s") * NUM_CORES + lax.axis_index("c")
    j = wid

    @pl.when(j < SAMPLES)
    def _():
        pltpu.sync_copy(cols_hbm, cols_v)
        c = plsc.load_gather(cols_v, [jnp.full((LANES,), j, jnp.int32)])[0]
        band = pltpu.async_copy(
            flat_hbm.at[pl.ds(c * N_NODES_TBL, N_NODES_TBL)],
            band_v.at[pl.ds(0, N_NODES_TBL)], semb)

        pltpu.sync_copy(ids_hbm.at[pl.ds(0, BLK)], idx_v)
        band.wait()

        def blk_body(blk, carry):
            def gather_blk(g, c2):
                nvec = idx_v[pl.ds(g * LANES, LANES)]
                row_v[pl.ds(g * LANES, LANES)] = plsc.load_gather(
                    band_v, [nvec])
                return c2

            lax.fori_loop(0, BLK // LANES, gather_blk, 0)

            pltpu.async_copy(
                row_v, out_hbm.at[j, pl.ds(blk * BLK, BLK)], semo)

            @pl.when(blk < N_BLK - 1)
            def _():
                pltpu.sync_copy(
                    ids_hbm.at[pl.ds((blk + 1) * BLK, BLK)], idx_v)
                pltpu.make_async_copy(
                    out_hbm.at[j, pl.ds(0, BLK)], row_v, semo).wait()

            return carry

        lax.fori_loop(0, N_BLK, blk_body, 0)
        pltpu.make_async_copy(
            out_hbm.at[j, pl.ds(0, BLK)], row_v, semo).wait()


_sample_kernel = pl.kernel(
    _sample_body,
    out_type=jax.ShapeDtypeStruct((OUT_ROWS, BATCH), jnp.float32),
    mesh=_mesh,
    compiler_params=pltpu.CompilerParams(needs_layout_passes=False),
    scratch_types=[
        pltpu.VMEM((BAND_PAD,), jnp.float32),
        pltpu.VMEM((COLS_PAD,), jnp.int32),
        pltpu.VMEM((BLK,), jnp.int32),
        pltpu.VMEM((BLK,), jnp.float32),
        pltpu.SemaphoreType.DMA,
        pltpu.SemaphoreType.DMA,
    ],
)


def kernel(adj_list, ids, n_sample):
    del n_sample
    perm = jax.random.permutation(jax.random.key(42), MAX_DEGREE)
    cols = jnp.zeros((COLS_PAD,), jnp.int32).at[:SAMPLES].set(perm[:SAMPLES])
    flat = adj_list.T.reshape(-1)
    out_t = _sample_kernel(flat, ids, cols)
    return out_t.T[:, :SAMPLES]

# --- scband reference (transcript-rebuilt; emitter-appended) ---
"""Pipeline reference for scband-uniform-sampler-28475633173143 (READ-ONLY COPY).

The authoritative reference and input builder live on the scoring server;
editing this copy changes nothing except your own understanding.
"""

import jax, jax.numpy as jnp
import numpy as np

N_NODES = 100000
MAX_DEGREE = 64
BATCH = 16384
N_SAMPLE = 25


def setup_inputs(seed: int = 0) -> dict:
    key = jax.random.key(seed)
    k1, k2 = jax.random.split(key)
    # adj_list acts as the init-time table that embedding_lookup gathers from.
    # (Stored as float32 so the gather is differentiable in the fwdbwd variant;
    # the sampling math is identical regardless of dtype.)
    adj_list = jax.random.normal(k1, (N_NODES, MAX_DEGREE), dtype=jnp.float32)
    ids = jax.random.randint(k2, (BATCH,), 0, N_NODES, dtype=jnp.int32)
    return {"adj_list": adj_list, "ids": ids, "n_sample": N_SAMPLE}


def reference(adj_list, ids, n_sample):
    # tf.nn.embedding_lookup(self.adj_list, ids)
    neighbors = jnp.take(adj_list, ids, axis=0)  # [B, max_degree]
    # tf.transpose(tf.random_shuffle(tf.transpose(neighbors))):
    # shuffling the first axis of the transposed tensor applies ONE shared
    # random permutation to the columns of every row.
    perm = jax.random.permutation(jax.random.key(42), neighbors.shape[1])
    neighbors = neighbors[:, perm]
    # neighbors[:, :n_sample]
    start = n_sample - N_SAMPLE
    return jax.lax.dynamic_slice_in_dim(neighbors, start, N_SAMPLE, axis=1)

if __name__ == "__main__":
    import jax
    _d = setup_inputs()
    print(jax.jit(kernel)(*tuple(_d.values())))

</pallas_src>

<mosaic_0001>
#map = affine_map<(d0, d1) -> (0)>
#map1 = affine_map<(d0, d1) -> (0, 0)>
module attributes {stable_mosaic.version = 14 : i64} {
  func.func @_sample_body(%arg0: i32, %arg1: i32, %arg2: memref<6400000xf32, #tpu.memory_space<hbm>>, %arg3: memref<16384xi32, #tpu.memory_space<hbm>>, %arg4: memref<32xi32, #tpu.memory_space<hbm>>, %arg5: memref<32x16384xf32, #tpu.memory_space<hbm>>, %arg6: memref<100352xf32, #tpu.memory_space<vmem>>, %arg7: memref<32xi32, #tpu.memory_space<vmem>>, %arg8: memref<2048xi32, #tpu.memory_space<vmem>>, %arg9: memref<2048xf32, #tpu.memory_space<vmem>>, %arg10: memref<!tpu.dma_semaphore, #tpu.memory_space<semaphore_mem>>, %arg11: memref<!tpu.dma_semaphore, #tpu.memory_space<semaphore_mem>>) attributes {dimension_semantics = [#tpu.dimension_semantics<core_parallel>, #tpu.dimension_semantics<subcore_parallel>], iteration_bounds = array<i64: 2, 16>, scalar_prefetch = 0 : i64, scratch_operands = 6 : i64, tpu.core_type = #tpu.core_type<sc_vector_subcore>, window_params = [{transform_indices = #map}, {transform_indices = #map}, {transform_indices = #map}, {transform_indices = #map1}]} {
    %mul3A = arith.constant 2 : i32
    %mul3A_0 = arith.muli %arg1, %mul3A : i32
    %add3A = arith.addi %mul3A_0, %arg0 : i32
    %lt3A = arith.constant 25 : i32
    %lt3A_1 = arith.cmpi slt, %add3A, %lt3A : i32
    %convert_element_type3A = arith.extui %lt3A_1 : i1 to i32
    %cond3A = arith.constant 0 : i32
    %cond3A_2 = arith.cmpi ne, %convert_element_type3A, %cond3A : i32
    scf.if %cond3A_2 {
      "tpu.region"() ({
        %run_scoped3A = tpu.sem_alloc : memref<!tpu.dma_semaphore, #tpu.memory_space<semaphore_mem>>
        tpu.enqueue_dma source(%arg4 : memref<32xi32, #tpu.memory_space<hbm>>) target(%arg7 : memref<32xi32, #tpu.memory_space<vmem>>) target_semaphore(%run_scoped3A : memref<!tpu.dma_semaphore, #tpu.memory_space<semaphore_mem>>)
        tpu.wait_dma2 semaphore(%run_scoped3A : memref<!tpu.dma_semaphore, #tpu.memory_space<semaphore_mem>>) src(%arg4 : memref<32xi32, #tpu.memory_space<hbm>>) dst(%arg7 : memref<32xi32, #tpu.memory_space<vmem>>)
        tpu.yield
      }) : () -> ()
      %broadcast_in_dim3A = vector.broadcast %add3A : i32 to vector<16xi32>
      %gather3A = tpu.vector_load_idx %arg7[%broadcast_in_dim3A] : memref<32xi32, #tpu.memory_space<vmem>>[vector<16xi32>], vector<16xi32>,
      %slice3A = vector.extract_strided_slice %gather3A {offsets = [0], sizes = [1], strides = [1]} : vector<16xi32> to vector<1xi32>
      %squeeze3A = vector.extract %slice3A[0] : i32 from vector<1xi32>
      %mul3A_3 = arith.constant 100000 : i32
      %mul3A_4 = arith.muli %squeeze3A, %mul3A_3 : i32
      %dma_start3A = arith.constant 0 : i32
      %dma_start3A_5 = tpu.memref_slice %arg6[%dma_start3A] : memref<100352xf32, #tpu.memory_space<vmem>> -> memref<100000xf32, #tpu.memory_space<vmem>>
      %dma_start3A_6 = tpu.memref_slice %arg2[%mul3A_4] : memref<6400000xf32, #tpu.memory_space<hbm>> -> memref<100000xf32, #tpu.memory_space<hbm>>
      %dma_start3A_7 = arith.constant 0 : i32
      %dma_start3A_8 = tpu.memref_slice %arg6[%dma_start3A_7] : memref<100352xf32, #tpu.memory_space<vmem>> -> memref<100000xf32, #tpu.memory_space<vmem>>
      %dma_start3A_9 = tpu.memref_slice %arg2[%mul3A_4] : memref<6400000xf32, #tpu.memory_space<hbm>> -> memref<100000xf32, #tpu.memory_space<hbm>>
      tpu.enqueue_dma source(%dma_start3A_9 : memref<100000xf32, #tpu.memory_space<hbm>>) target(%dma_start3A_8 : memref<100000xf32, #tpu.memory_space<vmem>>) target_semaphore(%arg10 : memref<!tpu.dma_semaphore, #tpu.memory_space<semaphore_mem>>)
      "tpu.region"() ({
        %run_scoped3A = tpu.sem_alloc : memref<!tpu.dma_semaphore, #tpu.memory_space<semaphore_mem>>
        %dma_start3A_26 = arith.constant 0 : i32
        %dma_start3A_27 = tpu.memref_slice %arg3[%dma_start3A_26] : memref<16384xi32, #tpu.memory_space<hbm>> -> memref<2048xi32, #tpu.memory_space<hbm>>
        %dma_start3A_28 = arith.constant 0 : i32
        %dma_start3A_29 = tpu.memref_slice %arg3[%dma_start3A_28] : memref<16384xi32, #tpu.memory_space<hbm>> -> memref<2048xi32, #tpu.memory_space<hbm>>
        tpu.enqueue_dma source(%dma_start3A_29 : memref<2048xi32, #tpu.memory_space<hbm>>) target(%arg8 : memref<2048xi32, #tpu.memory_space<vmem>>) target_semaphore(%run_scoped3A : memref<!tpu.dma_semaphore, #tpu.memory_space<semaphore_mem>>)
        %dma_wait3A_30 = arith.constant 0 : i32
        %dma_wait3A_31 = tpu.memref_slice %arg3[%dma_wait3A_30] : memref<16384xi32, #tpu.memory_space<hbm>> -> memref<2048xi32, #tpu.memory_space<hbm>>
        %dma_wait3A_32 = arith.constant 0 : i32
        %dma_wait3A_33 = tpu.memref_slice %arg3[%dma_wait3A_32] : memref<16384xi32, #tpu.memory_space<hbm>> -> memref<2048xi32, #tpu.memory_space<hbm>>
        tpu.wait_dma2 semaphore(%run_scoped3A : memref<!tpu.dma_semaphore, #tpu.memory_space<semaphore_mem>>) src(%dma_wait3A_33 : memref<2048xi32, #tpu.memory_space<hbm>>) dst(%arg8 : memref<2048xi32, #tpu.memory_space<vmem>>)
        tpu.yield
      }) : () -> ()
      %dma_wait3A = arith.constant 0 : i32
      %dma_wait3A_10 = tpu.memref_slice %arg6[%dma_wait3A] : memref<100352xf32, #tpu.memory_space<vmem>> -> memref<100000xf32, #tpu.memory_space<vmem>>
      %dma_wait3A_11 = tpu.memref_slice %arg2[%mul3A_4] : memref<6400000xf32, #tpu.memory_space<hbm>> -> memref<100000xf32, #tpu.memory_space<hbm>>
      %dma_wait3A_12 = arith.constant 0 : i32
      %dma_wait3A_13 = tpu.memref_slice %arg6[%dma_wait3A_12] : memref<100352xf32, #tpu.memory_space<vmem>> -> memref<100000xf32, #tpu.memory_space<vmem>>
      %dma_wait3A_14 = tpu.memref_slice %arg2[%mul3A_4] : memref<6400000xf32, #tpu.memory_space<hbm>> -> memref<100000xf32, #tpu.memory_space<hbm>>
      tpu.wait_dma2 semaphore(%arg10 : memref<!tpu.dma_semaphore, #tpu.memory_space<semaphore_mem>>) src(%dma_wait3A_14 : memref<100000xf32, #tpu.memory_space<hbm>>) dst(%dma_wait3A_13 : memref<100000xf32, #tpu.memory_space<vmem>>)
      %scan3A = arith.constant 0 : i32
      %scan3A_15 = arith.constant 0 : i32
      %scan3A_16 = arith.constant 8 : i32
      %scan3A_17 = arith.addi %scan3A_15, %scan3A_16 : i32
      %scan3A_18 = arith.constant 1 : i32
      scf.for %scan3A_26 = %scan3A_15 to %scan3A_17 step %scan3A_18  : i32 {
        %scan3A_27 = arith.constant 0 : i32
        %scan3A_28 = arith.constant 0 : i32
        %scan3A_29 = arith.constant 128 : i32
        %scan3A_30 = arith.addi %scan3A_28, %scan3A_29 : i32
        %scan3A_31 = arith.constant 1 : i32
        scf.for %scan3A_44 = %scan3A_28 to %scan3A_30 step %scan3A_31  : i32 {
          %mul3A_45 = arith.constant 16 : i32
          %mul3A_46 = arith.muli %scan3A_44, %mul3A_45 : i32
          %get3A = arith.index_cast %mul3A_46 : i32 to index
          %get3A_47 = tpu.vector_load %arg8[%get3A] {strides = array<i32>} : memref<2048xi32, #tpu.memory_space<vmem>>, vector<16xi32>,
          %gather3A_48 = tpu.vector_load_idx %arg6[%get3A_47] : memref<100352xf32, #tpu.memory_space<vmem>>[vector<16xi32>], vector<16xf32>,
          %mul3A_49 = arith.constant 16 : i32
          %mul3A_50 = arith.muli %scan3A_44, %mul3A_49 : i32
          %swap3A = arith.index_cast %mul3A_50 : i32 to index
          %swap3A_51 = tpu.vector_load %arg9[%swap3A] {strides = array<i32>} : memref<2048xf32, #tpu.memory_space<vmem>>, vector<16xf32>,
          tpu.vector_store %arg9[%swap3A], %gather3A_48 {strides = array<i32>} : memref<2048xf32, #tpu.memory_space<vmem>>, vector<16xf32>,
        }
        %scan3A_32 = arith.constant 128 : i32
        %mul3A_33 = arith.constant 2048 : i32
        %mul3A_34 = arith.muli %scan3A_26, %mul3A_33 : i32
        %dma_start3A_35 = tpu.memref_slice %arg5[%add3A, %mul3A_34] : memref<32x16384xf32, #tpu.memory_space<hbm>> -> memref<1x2048xf32, #tpu.memory_space<hbm>>
        %dma_start3A_36 = tpu.memref_squeeze %dma_start3A_35 : memref<1x2048xf32, #tpu.memory_space<hbm>> -> memref<2048xf32, #tpu.memory_space<hbm>>
        %dma_start3A_37 = tpu.memref_slice %arg5[%add3A, %mul3A_34] : memref<32x16384xf32, #tpu.memory_space<hbm>> -> memref<1x2048xf32, #tpu.memory_space<hbm>>
        %dma_start3A_38 = tpu.memref_squeeze %dma_start3A_37 : memref<1x2048xf32, #tpu.memory_space<hbm>> -> memref<2048xf32, #tpu.memory_space<hbm>>
        tpu.enqueue_dma source(%arg9 : memref<2048xf32, #tpu.memory_space<vmem>>) target(%dma_start3A_38 : memref<2048xf32, #tpu.memory_space<hbm>>) target_semaphore(%arg11 : memref<!tpu.dma_semaphore, #tpu.memory_space<semaphore_mem>>)
        %lt3A_39 = arith.constant 7 : i32
        %lt3A_40 = arith.cmpi slt, %scan3A_26, %lt3A_39 : i32
        %convert_element_type3A_41 = arith.extui %lt3A_40 : i1 to i32
        %cond3A_42 = arith.constant 0 : i32
        %cond3A_43 = arith.cmpi ne, %convert_element_type3A_41, %cond3A_42 : i32
        scf.if %cond3A_43 {
          %add3A_44 = arith.constant 1 : i32
          %add3A_45 = arith.addi %scan3A_26, %add3A_44 : i32
          %mul3A_46 = arith.constant 2048 : i32
          %mul3A_47 = arith.muli %add3A_45, %mul3A_46 : i32
          "tpu.region"() ({
            %run_scoped3A = tpu.sem_alloc : memref<!tpu.dma_semaphore, #tpu.memory_space<semaphore_mem>>
            %dma_start3A_54 = tpu.memref_slice %arg3[%mul3A_47] : memref<16384xi32, #tpu.memory_space<hbm>> -> memref<2048xi32, #tpu.memory_space<hbm>>
            %dma_start3A_55 = tpu.memref_slice %arg3[%mul3A_47] : memref<16384xi32, #tpu.memory_space<hbm>> -> memref<2048xi32, #tpu.memory_space<hbm>>
            tpu.enqueue_dma source(%dma_start3A_55 : memref<2048xi32, #tpu.memory_space<hbm>>) target(%arg8 : memref<2048xi32, #tpu.memory_space<vmem>>) target_semaphore(%run_scoped3A : memref<!tpu.dma_semaphore, #tpu.memory_space<semaphore_mem>>)
            %dma_wait3A_56 = tpu.memref_slice %arg3[%mul3A_47] : memref<16384xi32, #tpu.memory_space<hbm>> -> memref<2048xi32, #tpu.memory_space<hbm>>
            %dma_wait3A_57 = tpu.memref_slice %arg3[%mul3A_47] : memref<16384xi32, #tpu.memory_space<hbm>> -> memref<2048xi32, #tpu.memory_space<hbm>>
            tpu.wait_dma2 semaphore(%run_scoped3A : memref<!tpu.dma_semaphore, #tpu.memory_space<semaphore_mem>>) src(%dma_wait3A_57 : memref<2048xi32, #tpu.memory_space<hbm>>) dst(%arg8 : memref<2048xi32, #tpu.memory_space<vmem>>)
            tpu.yield
          }) : () -> ()
          %dma_wait3A_48 = arith.constant 0 : i32
          %dma_wait3A_49 = tpu.memref_slice %arg5[%add3A, %dma_wait3A_48] : memref<32x16384xf32, #tpu.memory_space<hbm>> -> memref<1x2048xf32, #tpu.memory_space<hbm>>
          %dma_wait3A_50 = tpu.memref_squeeze %dma_wait3A_49 : memref<1x2048xf32, #tpu.memory_space<hbm>> -> memref<2048xf32, #tpu.memory_space<hbm>>
          %dma_wait3A_51 = arith.constant 0 : i32
          %dma_wait3A_52 = tpu.memref_slice %arg5[%add3A, %dma_wait3A_51] : memref<32x16384xf32, #tpu.memory_space<hbm>> -> memref<1x2048xf32, #tpu.memory_space<hbm>>
          %dma_wait3A_53 = tpu.memref_squeeze %dma_wait3A_52 : memref<1x2048xf32, #tpu.memory_space<hbm>> -> memref<2048xf32, #tpu.memory_space<hbm>>
          tpu.wait_dma2 semaphore(%arg11 : memref<!tpu.dma_semaphore, #tpu.memory_space<semaphore_mem>>) src(%dma_wait3A_53 : memref<2048xf32, #tpu.memory_space<hbm>>) dst(%arg9 : memref<2048xf32, #tpu.memory_space<vmem>>)
        } else {
        }
      }
      %scan3A_19 = arith.constant 8 : i32
      %dma_wait3A_20 = arith.constant 0 : i32
      %dma_wait3A_21 = tpu.memref_slice %arg5[%add3A, %dma_wait3A_20] : memref<32x16384xf32, #tpu.memory_space<hbm>> -> memref<1x2048xf32, #tpu.memory_space<hbm>>
      %dma_wait3A_22 = tpu.memref_squeeze %dma_wait3A_21 : memref<1x2048xf32, #tpu.memory_space<hbm>> -> memref<2048xf32, #tpu.memory_space<hbm>>
      %dma_wait3A_23 = arith.constant 0 : i32
      %dma_wait3A_24 = tpu.memref_slice %arg5[%add3A, %dma_wait3A_23] : memref<32x16384xf32, #tpu.memory_space<hbm>> -> memref<1x2048xf32, #tpu.memory_space<hbm>>
      %dma_wait3A_25 = tpu.memref_squeeze %dma_wait3A_24 : memref<1x2048xf32, #tpu.memory_space<hbm>> -> memref<2048xf32, #tpu.memory_space<hbm>>
      tpu.wait_dma2 semaphore(%arg11 : memref<!tpu.dma_semaphore, #tpu.memory_space<semaphore_mem>>) src(%dma_wait3A_25 : memref<2048xf32, #tpu.memory_space<hbm>>) dst(%arg9 : memref<2048xf32, #tpu.memory_space<vmem>>)
    } else {
    }
    return
  }
}

</mosaic_0001>

<sc_bundles>
// kernel: kernel.3.cloned.1.call-start
scs
__scs_entry_jumppad:
0x0: {  	(pc) =	sbr.rel $0x88, $3  }
0x1: {  	(tag) =	ssettag $0x0;
	lr =	simm.s32 $0x1  }
0x2: {  	[smem:$0x3F9F] =	sst lr;
	_ =	strace $0xD0000000  }
0x3: {  	_ = 	snop  }
0x4: {  	_ = 	snop  }
0x5: {  	_ = 	snop  }
0x6: {  	_ = 	snop  }
0x7: {  	_ = 	snop  }
__scs_overlays_trampoline_lowered:
0x8: {  	[smem:$0x3FAE] =	sst s0  }
0x9: {  	[smem:$0x3FAF] =	sst s1  }
0xa: {  	[smem:$0x3FB0] =	sst s2  }
0xb: {  	[smem:$0x3FB1] =	sst s3  }
0xc: {  	[smem:$0x3FB2] =	sst s4  }
0xd: {  	[smem:$0x3FB3] =	sst s5  }
0xe: {  	[smem:$0x3FB4] =	sst s6  }
0xf: {  	[smem:$0x3FB5] =	sst s7  }
0x10: {  	[smem:$0x3FB6] =	sst s8  }
0x11: {  	[smem:$0x3FB7] =	sst s9;
	s0 =	simm.s32 @!p0 $0x0  }
0x12: {  	s1 =	sld [smem:$0x3F9D];
	s0 =	simm.s32 @p0 $0x1  }
0x13: {  	[smem:$0x3FB8] =	sst s0;
	s0 =	simm.s32 @!p1 $0x0  }
0x14: {  	s2 =	sld [smem:$0x3F9C];
	s0 =	simm.s32 @p1 $0x1  }
0x15: {  	[smem:$0x3FB9] =	sst s0;
	s0 =	simm.s32 @!p2 $0x0  }
0x16: {  	s3 =	sld [smem:$0x3FDB];
	s0 =	simm.s32 @p2 $0x1  }
0x17: {  	s4 =	simm.s32 $0x1BF5;
	[smem:$0x3FBB] =	sst s0  }
0x18: {  	s0 =	sld [smem:$0x3F9E];
	_ =	swait.ge [sflag:s4], $0x0  }
0x19: {  	s7 =	sld [smem:$0x3F9F]  }
0x1a: {  	s8 =	sadd.s32 $0xFFFFE003, lr  }
0x1b: {  	s9 =	sadd.s32 $0xFFFFFEF7, lr;
	s5 =	simm.s32 $0xFFFFFFFF;
	p2 =	slt.u32 s8, $0xFFFFF086  }
0x1c: {  	p1 =	slt.u32 s9, $0xF7A;
	s5 =	simm.s32 @!p2 $0x0  }
0x1d: {  	s5 =	simm.s32 @p1 $0x1;
	p0 =	seq.s32 s7, s2  }
0x1e: {  	s7 =	smul.u32 @!p0 $0xF7A, s2;
	p2 =	seq.s32 @!p0 s5, $0x0  }
0x1f: {  	s9 =	smul.u32 $0xF7A, s1;
	s8 =	simm.s32 @!p0 $0x1BF5;
	p2 =	por !p2, p0  }
0x20: {  	[sflag:s8] =	ssyncset.s32 @!p0 $0xFFFFF086;
	s6 =	sadd.s32 @!p0 s3, s7;
	s7 =	simm.s32 @!p0 $0x108  }
0x21: {  	s3 =	sadd.s32 s3, s9;
	s6 =	sadd.s32 @!p0 $0x88, s6;
	s7 =	simm.s32 @p2 $0x1082  }
0x22: {  	[simem:s7], [sflag:s8] =	dma.local @!p0 [hbm:s6], $0xF7A  }
0x23: {  	s9 =	sor.u32 $0xD0000000, s2;
	s6 =	simm.s32 $0x108;
	_ =	swait.ge @!p0 [sflag:s8], $0x0  }
0x24: {  	s3 =	sadd.s32 $0x88, s3;
	s6 =	simm.s32 @!p1 $0x1082;
	[sflag:s4] =	ssyncset.s32 $0xFFFFF086  }
0x25: {  	[simem:s6], [sflag:s4] =	dma.local [hbm:s3], $0xF7A  }
0x26: {  	[smem:$0x3F9F] =	sst s1;
	(tag) =	ssettag s2;
	_ =	strace s9  }
0x27: {  	s1 =	sld [smem:$0x3FAF]  }
0x28: {  	s2 =	sld [smem:$0x3FB0]  }
0x29: {  	s4 =	sld [smem:$0x3FB2]  }
0x2a: {  	p0 =	seq.s32 s5, $0x0;
	s5 =	sld [smem:$0x3FB3]  }
0x2b: {  	s6 =	sld [smem:$0x3FB4]  }
0x2c: {  	s7 =	sld [smem:$0x3FB5]  }
0x2d: {  	s3 =	simm.s32 $0x108;
	s8 =	sld [smem:$0x3FB6]  }
0x2e: {  	s3 =	simm.s32 @!p0 $0x1082;
	s9 =	sld [smem:$0x3FB7]  }
0x2f: {  	lr =	sadd.s32 s0, s3;
	s0 =	sld [smem:$0x3FAE]  }
0x30: {  	s3 =	sld [smem:$0x3FB1]  }
0x31: {  	[smem:$0x3FBA] =	sst s10  }
0x32: {  	s10 =	sld [smem:$0x3FB8];
	_ =	sdelay $0x3  }
0x33: {  	p0 =	seq.s32 s10, $0x1;
	s10 =	sld [smem:$0x3FBA];
	_ =	sdelay $0x3  }
0x34: {  	[smem:$0x3FBA] =	sst s10  }
0x35: {  	s10 =	sld [smem:$0x3FB9];
	_ =	sdelay $0x3  }
0x36: {  	p1 =	seq.s32 s10, $0x1;
	s10 =	sld [smem:$0x3FBA];
	_ =	sdelay $0x3  }
0x37: {  	[smem:$0x3FBA] =	sst s10  }
0x38: {  	s10 =	sld [smem:$0x3FBB]  }
0x39: {  	_ = 	snop;
	(pc) =	sbr.ind lr, $3  }
0x3a: {  	_ = 	snop  }
0x3b: {  	_ = 	snop  }
0x3c: {  	p2 =	seq.s32 s10, $0x1;
	s10 =	sld [smem:$0x3FBA]  }
0x3d: {  	_ =	shalt  }
0x3e: {  	_ =	shalt  }
0x3f: {  	_ =	shalt  }
0x40: {  	_ =	shalt  }
0x41: {  	_ =	shalt  }
0x42: {  	_ =	shalt  }
0x43: {  	_ =	shalt  }
0x44: {  	_ =	shalt  }
0x45: {  	_ =	shalt  }
0x46: {  	_ =	shalt  }
0x47: {  	_ =	shalt  }
0x48: {  	_ =	shalt  }
0x49: {  	_ =	shalt  }
0x4a: {  	_ =	shalt  }
0x4b: {  	_ =	shalt  }
0x4c: {  	_ =	shalt  }
0x4d: {  	_ =	shalt  }
0x4e: {  	_ =	shalt  }
0x4f: {  	_ =	shalt  }
0x50: {  	_ =	shalt  }
0x51: {  	_ =	shalt  }
0x52: {  	_ =	shalt  }
0x53: {  	_ =	shalt  }
0x54: {  	_ =	shalt  }
0x55: {  	_ =	shalt  }
0x56: {  	_ =	shalt  }
0x57: {  	_ =	shalt  }
0x58: {  	_ =	shalt  }
0x59: {  	_ =	shalt  }
0x5a: {  	_ =	shalt  }
0x5b: {  	_ =	shalt  }
0x5c: {  	_ =	shalt  }
0x5d: {  	_ =	shalt  }
0x5e: {  	_ =	shalt  }
0x5f: {  	_ =	shalt  }
0x60: {  	_ =	shalt  }
0x61: {  	_ =	shalt  }
0x62: {  	_ =	shalt  }
0x63: {  	_ =	shalt  }
0x64: {  	_ =	shalt  }
0x65: {  	_ =	shalt  }
0x66: {  	_ =	shalt  }
0x67: {  	_ =	shalt  }
0x68: {  	_ =	shalt  }
0x69: {  	_ =	shalt  }
0x6a: {  	_ =	shalt  }
0x6b: {  	_ =	shalt  }
0x6c: {  	_ =	shalt  }
0x6d: {  	_ =	shalt  }
0x6e: {  	_ =	shalt  }
0x6f: {  	_ =	shalt  }
0x70: {  	_ =	shalt  }
0x71: {  	_ =	shalt  }
0x72: {  	_ =	shalt  }
0x73: {  	_ =	shalt  }
0x74: {  	_ =	shalt  }
0x75: {  	_ =	shalt  }
0x76: {  	_ =	shalt  }
0x77: {  	_ =	shalt  }
0x78: {  	_ =	shalt  }
0x79: {  	_ =	shalt  }
0x7a: {  	_ =	shalt  }
0x7b: {  	_ =	shalt  }
0x7c: {  	_ =	shalt  }
0x7d: {  	_ =	shalt  }
0x7e: {  	_ =	shalt  }
0x7f: {  	_ =	shalt  }
0x80: {  	_ =	shalt  }
0x81: {  	_ =	shalt  }
0x82: {  	_ =	shalt  }
0x83: {  	_ =	shalt  }
0x84: {  	_ =	shalt  }
0x85: {  	_ =	shalt  }
0x86: {  	_ =	shalt  }
0x87: {  	_ =	shalt  }
.Lfunc_end0:
.L_simem_size_0:
called_computation_lowered:
.L_overlay_start_0:
0x88: {  	s2 =	sld [smem:$0x3FD9]  }
0x89: {  	s3 =	sld [smem:$0x3FFE];
	_ =	sdelay $0x1  }
0x8a: {  	s1 =	srdreg.scid  }
0x8b: {  	s0 =	sand.u32 $0x1, s1  }
0x8c: {  	s17 =	sshll.u32 s0, $0xA;
	s2 =	sadd.s32 s3, s2  }
0x8d: {  	s2 =	sadd.s32 s2, s17  }
0x8e: {  	[smem:$0x3FC6] =	sst s2  }
0x8f: {  	_ = 	snop  }
0x90: {  	s2 =	sld [smem:$0x3FC8]  }
0x91: {  	s18 =	sld [smem:$0x3FD0];
	(tm) =	ssettm $0x1  }
0x92: {  	s4 =	sld [smem:$0x3FFB];
	_ =	sdelay $0x3  }
0x93: {  	_ =	strace s4  }
0x94: {  	s4 =	sld [smem:$0x3FFC];
	_ =	sdelay $0x3  }
0x95: {  	_ =	strace s4  }
0x96: {  	s4 =	sld [smem:$0x3FFD];
	_ =	sdelay $0x3  }
0x97: {  	_ =	strace s4  }
0x98: {  	_ =	strace $0x8FFFFFFF  }
0x99: {  	s19 =	sld [smem:$0x3FDB];
	_ =	sdelay $0x1  }
0x9a: {  	s5 =	simm.s32 $_scs_section_size  }
0x9b: {  	s6 =	simm.s32 $_size__tile_overlayer_lowered;
	s7 =	simm.s32 $_tile_overlayer_lowered  }
0x9c: {  	s22 =	simm.s32 $0x1BFF;
	s21 =	sshll.u32 s7, $0x1;
	s4 =	sadd.s32 s5, s19  }
0x9d: {  	s8 =	simm.s32 $0x0;
	s20 =	sshll.u32 s6, $0x1;
	s6 =	sadd.s32 s21, s4  }
0x9e: {  	[timem:s8], [sflag:s22] =	dma.local [hbm:s6], s20  }
0x9f: {  	_ =	swait.ge [sflag:s22], s20  }
0xa0: {  	s5 =	ssub.s32 $0x0, s20;
	[sflag:s22] =	ssyncset.done $0x0  }
0xa1: {  	[sflag:s22] =	ssyncadd.s32 s5;
	_ =	sdelay $0x1  }
0xa2: {  	s23 =	simm.s32 $0x1B8B  }
0xa3: {  	_ =	swait.ge [sflag:s23], $0x1  }
0xa4: {  	[sflag:s23] =	ssyncset.done $0x0  }
0xa5: {  	s25 =	simm.s32 $0x1B8E;
	s24 =	sld [smem:$0x3FFE];
	[sflag:s23] =	ssyncadd.s32 $0xFFFFFFFF  }
0xa6: {  	s26 =	simm.s32 $execute0_lowered;
	[smem:$0x3FD2] =	sst s25  }
0xa7: {  	s6 =	sshll.u32 s26, $0x1;
	_ =	strace $0x80000046;
	[dreg:$0x1] =	wrdreg $0xFFFFFFFF  }
0xa8: {  	s28 =	simm.s32 $_size_execute0_lowered;
	s4 =	sadd.s32 s4, s6;
	[dreg:$0x0] =	wrdreg $0x0  }
0xa9: {  	s6 =	sshll.u32 s28, $0x1;
	[dreg:$0x2] =	wrdreg s4  }
0xaa: {  	[dreg:$0x3] =	wrdreg s6  }
0xab: {  	[dreg:$0x4] =	wrdreg $0xC0  }
0xac: {  	_ =	task [dreg:s8], $0x5FFFF  }
0xad: {  	[dreg:$0x1] =	wrdreg $0xFFFFFFFF  }
0xae: {  	[dreg:$0x0] =	wrdreg $0x60  }
0xaf: {  	[dreg:$0x2] =	wrdreg s24  }
0xb0: {  	[dreg:$0x3] =	wrdreg s2  }
0xb1: {  	[dreg:$0x4] =	wrdreg s18  }
0xb2: {  	[dreg:$0x5] =	wrdreg $0x9  }
0xb3: {  	_ =	task.clear_ibuf [dreg:s8], $0x6FFFF;
	_ =	strace $0x90000046  }
0xb4: {  	s29 =	simm.s32 $0x9;
	_ =	strace $0x80000048  }
0xb5: {  	_ =	swait.ge [sflag:s29], $0x1  }
0xb6: {  	[sflag:s29] =	ssyncadd.s32 $0xFFFFFFFF  }
0xb7: {  	_ =	strace $0x90000048  }
0xb8: {  	_ =	sfence  }
0xb9: {  	s30 =	sld [smem:$0x0];
	_ =	sdelay $0x2  }
0xba: {  	s31 =	sshll.u32 s1, $0xD;
	s1 =	sshrl.u32 s1, $0x2  }
0xbb: {  	s3 =	sand.u32 $0x4000, s31;
	s1 =	sadd.s32 s1, s30  }
0xbc: {  	s0 =	sor.u32 s3, s0;
	s1 =	sshll.u32 s1, $0x11  }
0xbd: {  	s0 =	sor.u32 s1, s0  }
0xbe: {  	s0 =	sadd.s32 $0x8F2B, s0  }
0xbf: {  	[sflag:s0] =	ssyncadd.remote.s32 $0x1  }
0xc0: {  	_ =	sfence.sel $0xFFFF  }
0xc1: {  	[dreg:$0x0] =	wrdreg $0xFFFFFFFF;
	(pc) =	sbr.abs _section_cstart, $3  }
0xc2: {  	[dreg:$0x1] =	wrdreg $0xFFFFFFFF  }
0xc3: {  	_ =	task.clear_ibuf [dreg:s8], $0x2FFFF;
	_ =	strace $0x9FFFFFFF  }
0xc4: {  	(tm) =	ssettm $0x7FFFFFFF  }
0xc5: {  	_ =	shalt  }
tec
execute0_lowered:
.L_overlay_start_1:
0x0: {  	(tag) =	ssettag $0x1  }
0x1: {  	s2 =	srdreg.scid;
	s0 =	stileid.u32  }
0x2: {  	s5 =	sand.u32 $0x1, s2;
	s6 =	sshll.u32 s0, $0x1  }
0x3: {  	s16 =	sor.u32 s5, s6  }
0x4: {  	p0 =	sgt.u32 s16, $0x18  }
.Ltmp0:
0x5: {  	s1 =	rddreg [dreg:$0x0];
	(pc) =	sbr.rel @p0 .LBB2_8-.Ltmp0, $4  }
0x6: {  	s3 =	rddreg [dreg:$0x1]  }
0x7: {  	s7 =	rddreg [dreg:$0x2];
	s4 =	simm.s32 $0x0  }
0x8: {  	[smem:$0x7FF] =	sst s4  }
0x9: {  	s2 =	rddreg [dreg:$0x3];
	_ =	strace $0x80000047  }
0xa: {  	s8 =	ssub.s32 $0x2, s5;
	s5 =	sadd.s32 $0xC3600, s1  }
0xb: {  	s9 =	sshll.u32 s16, $0x4;
	s6 =	sand.u32 $0x18, s6;
	s11 =	simm.s32 $0x3  }
.Ltmp1:
0xc: {  	s12 =	simm.s32 $0x18880;
	s13 =	simm.s32 $0x1;
	(pc) =	sbr.rel .LBB2_2-.Ltmp1, $4  }
0xd: {  	s14 =	simm.s32 $0x80;
	s15 =	simm.s32 $0x400;
	v0 =	vmov s16;
	s16 =	simm.s32 $0x19080  }
0xe: {  	s17 =	simm.s32 $0x2;
	s10 =	sshrl.u32 s8, $0x1;
	s9 =	sand.u32 $0x70, s9  }
0xf: {  	s18 =	simm.s32 $0x0;
	s10 =	ssub.s32 s8, s10;
	s7 =	sadd.s32 s7, s9  }
0x10: {  	s8 =	sadd.s32 $0x100, s3;
	s9 =	smax.u32 s10, $0x1;
	s10 =	simm.s32 $0x18800  }
.LBB2_7:
0x11: {  	s18 =	sadd.s32 $0x1, s18  }
0x12: {  	p0 =	sne.s32 s18, s9  }
.Ltmp2:
0x13: {  	_ = 	snop;
	(pc) =	sbr.rel @!p0 .LBB2_8-.Ltmp2, $4  }
0x14: {  	_ = 	snop  }
0x15: {  	_ =	swait.ge [sflag:s17], $0x800  }
0x16: {  	[sflag:s17] =	ssyncset.done $0x0  }
0x17: {  	[sflag:s17] =	ssyncadd.s32 $0xFFFFF800  }
.LBB2_2:
0x18: {  	s19 =	simm.s32 $0x0  }
0x19: {  	[tilespmem:s10], [sflag:$0x3] =	stream.linear.gather [hbm4b:s5+s19], $0x80, $0x38;
	[tilespmem:$0x19880] =	vst v63  }
0x1a: {  	_ =	swait.ge [sflag:s11], $0x80  }
0x1b: {  	[sflag:s11] =	ssyncset.done $0x0  }
0x1c: {  	[sflag:s11] =	ssyncadd.s32 $0xFFFFFF80  }
0x1d: {  	v1 =	vld.idx.msk [tilespmem:v0+s10+$0x0], $0xffff;
	_ =	sdelay $0x4  }
0x1e: {  	(v2sf) =	vpush v1, $0x0;
	_ =	sdelay $0xe  }
0x1f: {  	s20 =	spop (v2sf)  }
0x20: {  	s20 =	smul.u32 $0x186A0, s20;
	_ =	sdelay $0x1  }
0x21: {  	s20 =	sshrl.u32 s20, $0x3  }
0x22: {  	s20 =	sadd.s32 s1, s20  }
0x23: {  	[tilespmem:s19], [sflag:$0x1] =	stream.linear.gather [hbm4b:s20+s19], $0x186A0, $0x38;
	[tilespmem:$0x19880] =	vst v63  }
0x24: {  	_ = 	snop  }
0x25: {  	[tilespmem:s12], [sflag:$0x3] =	stream.linear.gather [hbm4b:s3+s19], $0x800, $0x38;
	[tilespmem:$0x19880] =	vst v63  }
0x26: {  	_ =	swait.ge [sflag:s11], $0x800  }
0x27: {  	[sflag:s11] =	ssyncset.done $0x0  }
0x28: {  	[sflag:s11] =	ssyncadd.s32 $0xFFFFF800  }
0x29: {  	_ =	swait.ge [sflag:s13], $0x186A0  }
0x2a: {  	[sflag:s13] =	ssyncset.done $0x0  }
0x2b: {  	[sflag:s13] =	ssyncadd.s32 $0xFFFE7960  }
.LBB2_3:
0x2c: {  	s20 =	simm.s32 $0x0  }
0x2d: {  	v1 =	vld [tilespmem:s20+$0x18880];
	_ =	sdelay $0x7  }
0x2e: {  	s21 =	simm.s32 $0x10;
	s22 =	simm.s32 $0x80;
	v1 =	vld.idx.msk [tilespmem:v1+s4+$0x0], $0xffff  }
.LBB2_4:
0x2f: {  	p0 =	sne.s32 s22, $0x1FC0;
	v2 =	vld [tilespmem:s21+$0x18880];
	_ =	sdelay $0x3  }
.Ltmp3:
0x30: {  	(pc) =	sbr.rel @p0 .LBB2_4-.Ltmp3, $2  }
0x31: {  	[tilespmem:s20+$0x19080] =	vst v1;
	s20 =	smov.u32 s21;
	_ =	sdelay $0x2  }
0x32: {  	s21 =	sshra.s32 s22, $0x2;
	s22 =	sadd.s32 $0x40, s22;
	v1 =	vld.idx.msk [tilespmem:v2+s4+$0x0], $0xffff  }
0x33: {  	v2 =	vld [tilespmem:s21+$0x18880];
	_ =	sdelay $0x6  }
0x34: {  	[tilespmem:s20+$0x19080] =	vst v1  }
0x35: {  	v1 =	vld.idx.msk [tilespmem:v2+s4+$0x0], $0xffff  }
0x36: {  	p0 =	seq.s32 s19, $0x7  }
.Ltmp4:
0x37: {  	_ = 	snop;
	(pc) =	sbr.rel @p0 .LBB2_7-.Ltmp4, $4  }
0x38: {  	s31 =	sadd.s32 s6, s19  }
0x39: {  	s20 =	sshll.u32 s31, $0xB  }
0x3a: {  	s20 =	sadd.s32 s20, s7;
	[tilespmem:s21+$0x19080] =	vst v1  }
0x3b: {  	[hbm4b:s20+s14] =	stream.strided.scatter [tilespmem:s16], [sflag:$0x2], $0x800, s15, s14, $0x38;
	[tilespmem:$0x19880] =	vst v63  }
0x3c: {  	s20 =	sshll.u32 s19, $0x8  }
0x3d: {  	s20 =	sadd.s32 s20, s8  }
0x3e: {  	[tilespmem:s12], [sflag:$0x3] =	stream.linear.gather [hbm4b:s20+s4], $0x800, $0x38;
	[tilespmem:$0x19880] =	vst v63  }
0x3f: {  	_ =	swait.ge [sflag:s11], $0x800  }
.Ltmp5:
0x40: {  	[sflag:s11] =	ssyncset.done $0x0;
	(pc) =	sbr.rel .LBB2_3-.Ltmp5, $4  }
0x41: {  	[sflag:s11] =	ssyncadd.s32 $0xFFFFF800  }
0x42: {  	_ =	swait.ge [sflag:s17], $0x800  }
0x43: {  	[sflag:s17] =	ssyncset.done $0x0  }
0x44: {  	s19 =	sadd.s32 $0x1, s19;
	[sflag:s17] =	ssyncadd.s32 $0xFFFFF800  }
.LBB2_8:
0x45: {  	_ =	sfence.sel $0x180000  }
0x46: {  	[bflag:$0x0] =	sbarrier.arrive $0xFFFF  }
0x47: {  	p0 =	sne.s32 s0, $0x0;
	_ =	strace $0x90000047  }
0x48: {  	s0 =	sadd.s32 @!p0 $0x100000, s2;
	[bflag:$0x2] =	sbarrier.arrive $0xFFFF  }
0x49: {  	[sflag:s0] =	ssyncadd.tile.s32 @!p0 $0x1;
	_ =	shalt  }
.Lfunc_end2:
_tile_overlayer_lowered:
.L_overlay_start_2:
0x4a: {  	(tag) =	ssettag $0x2  }
0x4b: {  	s0 =	rddreg [dreg:$0x0];
	s2 =	stileid.u32  }
0x4c: {  	s1 =	rddreg [dreg:$0x1];
	p0 =	sne.s32 s2, $0x0  }
0x4d: {  	s3 =	rddreg [dreg:$0x2];
	[bflag:$0x3] =	sbarrier.arrive $0xFFFF;
	s2 =	simm.s32 @!p0 $0x1C03  }
0x4e: {  	[timem:s3], [sflag:s2] =	dma.local @!p0 [hbm:s0], s1  }
0x4f: {  	s0 =	simm.s32 @!p0 $0x3  }
0x50: {  	_ =	swait.ge @!p0 [sflag:s0], s1  }
0x51: {  	s1 =	ssub.s32 @!p0 $0x0, s1;
	[sflag:s0] =	ssyncset.done @!p0 $0x0  }
0x52: {  	[sflag:s0] =	ssyncadd.s32 @!p0 s1  }
0x53: {  	[bflag:$0x3] =	sbarrier.arrive $0xFFFF  }
0x54: {  	_ =	shalt  }

</sc_bundles>
